<compile_context>
chip_gen: v7x
topology: tpu7x:2x2x1
jax: 0.10.2.dev20260603
libtpu: 0.0.44.dev20260713+nightly
codegen_flags: <defaults>
</compile_context>

<pallas_src>
import functools

import jax
import jax.numpy as jnp
from jax import lax
from jax.experimental import pallas as pl
from jax.experimental.pallas import tpu as pltpu
from jax.experimental.pallas import tpu_sc as plsc

N_REAL = 75
NP = 80
T = 640
NB = 8
TB = T // NB
HALO = 4
W = TB + 2 * HALO
HID = 128
NE_PAD = 160
PAD_NODE = 79


NE_TOT = NE_PAD + NP
NC = 128


def _build_counts_sc(src_all, dst_all, eye_np, zeros_np):
    mesh = plsc.VectorSubcoreMesh(core_axis_name="c", subcore_axis_name="s")

    @functools.partial(
        pl.kernel,
        mesh=mesh,
        out_type=jax.ShapeDtypeStruct((NP, NC), jnp.float32),
        scratch_types=[
            pltpu.VMEM((NE_TOT,), jnp.int32),
            pltpu.VMEM((NE_TOT,), jnp.int32),
            pltpu.VMEM((NE_TOT, NC), jnp.float32),
            pltpu.MemorySpace.VMEM_SHARED((NP, NC), jnp.float32),
        ],
    )
    def k(src_hbm, dst_hbm, eye_hbm, zero_hbm, out_hbm,
          src_v, dst_v, oh_v, c_sh):
        is_w0 = jnp.logical_and(
            lax.axis_index("c") == 0, lax.axis_index("s") == 0
        )

        @pl.when(is_w0)
        def _():
            pltpu.sync_copy(src_hbm, src_v)
            pltpu.sync_copy(dst_hbm, dst_v)
            pltpu.sync_copy(zero_hbm, c_sh)
            pltpu.sync_copy(eye_hbm.at[src_v], oh_v)
            pltpu.sync_copy(oh_v, c_sh.at[dst_v], add=True)
            pltpu.sync_copy(c_sh, out_hbm)

    return k(src_all, dst_all, eye_np, zeros_np)


def _norm_body(c_ref, a_ref):
    c = c_ref[:, :NP]
    deg = jnp.sum(c, axis=1, keepdims=True)
    dinv = jnp.where(deg > 0, lax.rsqrt(deg), 0.0)
    a_ref[...] = jnp.pad(c * dinv * jnp.transpose(dinv),
                         ((0, 0), (0, NC - NP)))


def _normalize_adj(counts):
    return pl.pallas_call(
        _norm_body,
        out_shape=jax.ShapeDtypeStruct((NP, NC), jnp.float32),
    )(counts)


SEQ = 80
BPS = TB // SEQ


def _main_body(x_ref, c_ref, w1_ref, b1_ref, t1_ref, t1b_ref,
               g1_ref, be1_ref, rm1_ref, rv1_ref,
               w2_ref, b2_ref, t2_ref, t2b_ref,
               g2_ref, be2_ref, rm2_ref, rv2_ref,
               f1_ref, f1b_ref, f2_ref, f2b_ref, out_ref):
    b = pl.program_id(0)
    A = c_ref[:, :NP]

    row = lax.broadcasted_iota(jnp.int32, (NP * W, 1), 0)
    wv = row % W
    gt = wv + (b * TB - HALO)
    m_t = jnp.logical_and(gt >= 0, gt < T).astype(jnp.float32)

    sc1 = g1_ref[...] * lax.rsqrt(rv1_ref[...] + 1e-5)
    sh1 = be1_ref[...] - rm1_ref[...] * sc1
    sc2 = g2_ref[...] * lax.rsqrt(rv2_ref[...] + 1e-5)
    sh2 = be2_ref[...] - rm2_ref[...] * sc2

    def layer(h, w_ref, b_ref, t_ref, tb_ref, sc, sh):
        xw = jnp.dot(h, w_ref[...], preferred_element_type=jnp.float32)
        xwm = jnp.reshape(xw, (NP, W * HID))
        gm = jnp.dot(A, xwm, preferred_element_type=jnp.float32)
        g = jnp.reshape(gm, (NP * W, HID)) + b_ref[...]
        g = g * m_t
        y = jnp.dot(g, t_ref[...], preferred_element_type=jnp.float32)
        c = (pltpu.roll(y[:, :HID], 1, 0) + y[:, HID:2 * HID]
             + pltpu.roll(y[:, 2 * HID:], NP * W - 1, 0) + tb_ref[...])
        return jnp.maximum(c * sc + sh, 0.0)

    x = jnp.reshape(x_ref[0], (NP * W, 8))
    h1 = layer(x, w1_ref, b1_ref, t1_ref, t1b_ref, sc1, sh1)
    h2 = layer(h1, w2_ref, b2_ref, t2_ref, t2b_ref, sc2, sh2)

    nv = row // W
    m_node = (nv < N_REAL).astype(jnp.float32)
    outs = []
    for j in range(BPS):
        lo = HALO + j * SEQ
        m_head = m_node * jnp.logical_and(
            wv >= lo, wv < lo + SEQ).astype(jnp.float32)
        s = (jnp.sum(h2 * m_head, axis=0, keepdims=True)
             * (1.0 / (N_REAL * SEQ)))
        z = jnp.maximum(
            jnp.dot(s, f1_ref[...], preferred_element_type=jnp.float32)
            + f1b_ref[...], 0.0)
        outs.append(
            jnp.dot(z, f2_ref[...], preferred_element_type=jnp.float32)
            + f2b_ref[...])
    out_ref[...] = jnp.reshape(jnp.concatenate(outs, axis=0), (1, BPS, 100))


def _run_main(xwin, counts, w1p, b1, tc1T, tc1b, bn1, w2, b2, tc2T, tc2b,
              bn2, fc1_w, fc1_b, fc2_w, fc2_b, interpret=False):
    g1, be1, rm1, rv1 = bn1
    g2, be2, rm2, rv2 = bn2
    full = lambda shape: pl.BlockSpec(shape, lambda b: (0,) * len(shape))
    return pl.pallas_call(
        _main_body,
        grid=(NB,),
        in_specs=[
            pl.BlockSpec((1, NP, W, 8), lambda b: (b, 0, 0, 0)),
            full((NP, NC)),
            full((8, HID)), full((1, HID)), full((HID, 3 * HID)),
            full((1, HID)),
            full((1, HID)), full((1, HID)), full((1, HID)), full((1, HID)),
            full((HID, HID)), full((1, HID)), full((HID, 3 * HID)),
            full((1, HID)),
            full((1, HID)), full((1, HID)), full((1, HID)), full((1, HID)),
            full((HID, 64)), full((1, 64)), full((64, 100)), full((1, 100)),
        ],
        out_specs=pl.BlockSpec((1, BPS, 100), lambda b: (b, 0, 0)),
        out_shape=jax.ShapeDtypeStruct((NB, BPS, 100), jnp.float32),
        interpret=interpret,
    )(xwin, counts, w1p, b1, tc1T, tc1b, g1, be1, rm1, rv1,
      w2, b2, tc2T, tc2b, g2, be2, rm2, rv2,
      fc1_w, fc1_b, fc2_w, fc2_b).reshape(NB * BPS, 100)


def _prep_x(x):
    xf = x.reshape(T, N_REAL, 3)
    xp = jnp.pad(xf, ((HALO, HALO), (0, NP - N_REAL), (0, 5)))
    xwin = jnp.stack([xp[b * TB:b * TB + W] for b in range(NB)])
    return jnp.transpose(xwin, (0, 2, 1, 3))


def kernel(x, edge_index, W1, b1, tc1_w, tc1_b, bn1_g, bn1_b, bn1_rm, bn1_rv,
           W2, b2, tc2_w, tc2_b, bn2_g, bn2_b, bn2_rm, bn2_rv,
           fc1_w, fc1_b, fc2_w, fc2_b):
    pad_e = jnp.full((NE_PAD - edge_index.shape[1],), PAD_NODE, jnp.int32)
    loops = jnp.arange(NP, dtype=jnp.int32)
    src = jnp.concatenate([edge_index[0], pad_e, loops])
    dst = jnp.concatenate([edge_index[1], pad_e, loops])
    counts = _build_counts_sc(
        src, dst, jnp.eye(NP, NC, dtype=jnp.float32),
        jnp.zeros((NP, NC), jnp.float32))
    A = _normalize_adj(counts)

    xwin = _prep_x(x)
    w1p = jnp.pad(W1, ((0, 5), (0, 0)))
    tc1T = jnp.transpose(tc1_w, (1, 2, 0)).reshape(HID, 3 * HID)
    tc2T = jnp.transpose(tc2_w, (1, 2, 0)).reshape(HID, 3 * HID)
    r = lambda v: v.reshape(1, -1)
    return _run_main(
        xwin, A, w1p, r(b1), tc1T, r(tc1_b),
        (r(bn1_g), r(bn1_b), r(bn1_rm), r(bn1_rv)),
        W2, r(b2), tc2T, r(tc2_b),
        (r(bn2_g), r(bn2_b), r(bn2_rm), r(bn2_rv)),
        fc1_w, r(fc1_b), fc2_w, r(fc2_b))

# --- scband reference (transcript-rebuilt; emitter-appended) ---
"""Pipeline reference for scband-tgcn-16896401342875 (READ-ONLY COPY).

The authoritative reference and input builder live on the scoring server;
editing this copy changes nothing except your own understanding.
"""

import jax, jax.numpy as jnp
import numpy as np

NUM_NODES = 75
IN_FEAT = 3
HID = 128
NCLS = 100


def setup_inputs(seed: int = 0) -> dict:
    key = jax.random.key(seed)
    ks = jax.random.split(key, 24)
    inp = {}
    inp['x'] = jax.random.normal(ks[0], (8, 80, NUM_NODES, IN_FEAT), dtype=jnp.float32)
    inp['edge_index'] = jax.random.randint(ks[1], (2, 150), 0, NUM_NODES, dtype=jnp.int32)
    # layer 1 params
    inp['W1'] = jax.random.normal(ks[2], (IN_FEAT, HID), dtype=jnp.float32) * 0.05
    inp['b1'] = jnp.zeros((HID,), dtype=jnp.float32)
    inp['tc1_w'] = jax.random.normal(ks[3], (HID, HID, 3), dtype=jnp.float32) * 0.05
    inp['tc1_b'] = jnp.zeros((HID,), dtype=jnp.float32)
    inp['bn1_g'] = jnp.ones((HID,), dtype=jnp.float32)
    inp['bn1_b'] = jnp.zeros((HID,), dtype=jnp.float32)
    inp['bn1_rm'] = jnp.zeros((HID,), dtype=jnp.float32)
    inp['bn1_rv'] = jnp.ones((HID,), dtype=jnp.float32)
    # layer 2 params
    inp['W2'] = jax.random.normal(ks[4], (HID, HID), dtype=jnp.float32) * 0.05
    inp['b2'] = jnp.zeros((HID,), dtype=jnp.float32)
    inp['tc2_w'] = jax.random.normal(ks[5], (HID, HID, 3), dtype=jnp.float32) * 0.05
    inp['tc2_b'] = jnp.zeros((HID,), dtype=jnp.float32)
    inp['bn2_g'] = jnp.ones((HID,), dtype=jnp.float32)
    inp['bn2_b'] = jnp.zeros((HID,), dtype=jnp.float32)
    inp['bn2_rm'] = jnp.zeros((HID,), dtype=jnp.float32)
    inp['bn2_rv'] = jnp.ones((HID,), dtype=jnp.float32)
    # head
    inp['fc1_w'] = jax.random.normal(ks[6], (HID, HID // 2), dtype=jnp.float32) * 0.05
    inp['fc1_b'] = jnp.zeros((HID // 2,), dtype=jnp.float32)
    inp['fc2_w'] = jax.random.normal(ks[7], (HID // 2, NCLS), dtype=jnp.float32) * 0.05
    inp['fc2_b'] = jnp.zeros((NCLS,), dtype=jnp.float32)
    return inp


def _gcn_conv(x_flat, src, dst, W, b, n):
    # torch_geometric GCNConv: add self-loops, symmetric deg^-1/2 normalization
    xw = x_flat @ W
    loop = jnp.arange(n, dtype=src.dtype)
    s = jnp.concatenate([src, loop])
    d = jnp.concatenate([dst, loop])
    deg = jnp.zeros((n,), dtype=x_flat.dtype).at[d].add(1.0)
    dinv = jnp.where(deg > 0, 1.0 / jnp.sqrt(deg), 0.0)
    norm = dinv[s] * dinv[d]
    msg = xw[s] * norm[:, None]
    out = jnp.zeros((n, W.shape[1]), dtype=x_flat.dtype).at[d].add(msg)
    return out + b


def _tgcn_layer(x, edge_index, W, b, tcw, tcb, g, beta, rm, rv):
    bs, n, c_in = x.shape
    x_flat = x.reshape(-1, c_in)
    # batch edge_index with per-graph node offsets (vectorized version of the python loop)
    offsets = (jnp.arange(bs, dtype=edge_index.dtype) * n)
    ei = edge_index[:, None, :] + offsets[None, :, None]
    ei = ei.reshape(2, -1)
    x_gcn = _gcn_conv(x_flat, ei[0], ei[1], W, b, bs * n)
    c_out = W.shape[1]
    x_gcn = x_gcn.reshape(bs, n, c_out)
    # temporal conv per node over the batch_seq axis (faithful to original permutes)
    x_temp = jnp.transpose(x_gcn, (1, 2, 0))  # [n, c_out, bs]
    x_conv = jax.lax.conv_general_dilated(
        x_temp, tcw, window_strides=(1,), padding=[(1, 1)],
        dimension_numbers=('NCH', 'OIH', 'NCH'))
    x_conv = x_conv + tcb[None, :, None]
    x_out = jnp.transpose(x_conv, (2, 0, 1))  # [bs, n, c_out]
    x_out = jnp.transpose(x_out, (0, 2, 1))   # [bs, c_out, n]
    # BatchNorm1d in eval mode with running stats
    x_out = (x_out - rm[None, :, None]) / jnp.sqrt(rv[None, :, None] + 1e-5)
    x_out = x_out * g[None, :, None] + beta[None, :, None]
    x_out = jax.nn.relu(x_out)
    # dropout is identity in eval
    return jnp.transpose(x_out, (0, 2, 1))


def reference(x, edge_index, W1, b1, tc1_w, tc1_b, bn1_g, bn1_b, bn1_rm, bn1_rv,
              W2, b2, tc2_w, tc2_b, bn2_g, bn2_b, bn2_rm, bn2_rv,
              fc1_w, fc1_b, fc2_w, fc2_b):
    B, S, N, F = x.shape
    h = x.reshape(B * S, N, F)
    h = _tgcn_layer(h, edge_index, W1, b1, tc1_w, tc1_b, bn1_g, bn1_b, bn1_rm, bn1_rv)
    h = _tgcn_layer(h, edge_index, W2, b2, tc2_w, tc2_b, bn2_g, bn2_b, bn2_rm, bn2_rv)
    h = h.reshape(B, S, N, -1)
    h = h.mean(axis=2)            # [B, S, C]
    h = jnp.transpose(h, (0, 2, 1))  # [B, C, S]
    h = h.mean(axis=2)            # AdaptiveAvgPool1d(1) + squeeze -> [B, C]
    h = jax.nn.relu(h @ fc1_w + fc1_b)
    out = h @ fc2_w + fc2_b
    return out

if __name__ == "__main__":
    import jax
    _d = setup_inputs()
    print(jax.jit(kernel)(*tuple(_d.values())))

</pallas_src>

<mosaic_0001>
#map = affine_map<(d0, d1) -> (0)>
#map1 = affine_map<(d0, d1) -> (0, 0)>
module attributes {stable_mosaic.version = 14 : i64} {
  func.func @k(%arg0: i32, %arg1: i32, %arg2: memref<240xi32, #tpu.memory_space<hbm>>, %arg3: memref<240xi32, #tpu.memory_space<hbm>>, %arg4: memref<80x128xf32, #tpu.memory_space<hbm>>, %arg5: memref<80x128xf32, #tpu.memory_space<hbm>>, %arg6: memref<80x128xf32, #tpu.memory_space<hbm>>, %arg7: memref<240xi32, #tpu.memory_space<vmem>>, %arg8: memref<240xi32, #tpu.memory_space<vmem>>, %arg9: memref<240x128xf32, #tpu.memory_space<vmem>>, %arg10: memref<80x128xf32, #tpu.memory_space<vmem_shared>>) attributes {dimension_semantics = [#tpu.dimension_semantics<core_parallel>, #tpu.dimension_semantics<subcore_parallel>], iteration_bounds = array<i64: 2, 16>, scalar_prefetch = 0 : i64, scratch_operands = 4 : i64, tpu.core_type = #tpu.core_type<sc_vector_subcore>, window_params = [{transform_indices = #map}, {transform_indices = #map}, {transform_indices = #map1}, {transform_indices = #map1}, {transform_indices = #map1}]} {
    %eq3A = arith.constant 0 : i32
    %eq3A_0 = arith.cmpi eq, %arg0, %eq3A : i32
    %eq3A_1 = arith.constant 0 : i32
    %eq3A_2 = arith.cmpi eq, %arg1, %eq3A_1 : i32
    %and3A = arith.andi %eq3A_0, %eq3A_2 : i1
    %convert_element_type3A = arith.extui %and3A : i1 to i32
    %cond3A = arith.constant 0 : i32
    %cond3A_3 = arith.cmpi ne, %convert_element_type3A, %cond3A : i32
    scf.if %cond3A_3 {
      "tpu.region"() ({
        %run_scoped3A = tpu.sem_alloc : memref<!tpu.dma_semaphore, #tpu.memory_space<semaphore_mem>>
        tpu.enqueue_dma source(%arg2 : memref<240xi32, #tpu.memory_space<hbm>>) target(%arg7 : memref<240xi32, #tpu.memory_space<vmem>>) target_semaphore(%run_scoped3A : memref<!tpu.dma_semaphore, #tpu.memory_space<semaphore_mem>>)
        tpu.wait_dma2 semaphore(%run_scoped3A : memref<!tpu.dma_semaphore, #tpu.memory_space<semaphore_mem>>) src(%arg2 : memref<240xi32, #tpu.memory_space<hbm>>) dst(%arg7 : memref<240xi32, #tpu.memory_space<vmem>>)
        tpu.yield
      }) : () -> ()
      "tpu.region"() ({
        %run_scoped3A = tpu.sem_alloc : memref<!tpu.dma_semaphore, #tpu.memory_space<semaphore_mem>>
        tpu.enqueue_dma source(%arg3 : memref<240xi32, #tpu.memory_space<hbm>>) target(%arg8 : memref<240xi32, #tpu.memory_space<vmem>>) target_semaphore(%run_scoped3A : memref<!tpu.dma_semaphore, #tpu.memory_space<semaphore_mem>>)
        tpu.wait_dma2 semaphore(%run_scoped3A : memref<!tpu.dma_semaphore, #tpu.memory_space<semaphore_mem>>) src(%arg3 : memref<240xi32, #tpu.memory_space<hbm>>) dst(%arg8 : memref<240xi32, #tpu.memory_space<vmem>>)
        tpu.yield
      }) : () -> ()
      "tpu.region"() ({
        %run_scoped3A = tpu.sem_alloc : memref<!tpu.dma_semaphore, #tpu.memory_space<semaphore_mem>>
        tpu.enqueue_dma source(%arg5 : memref<80x128xf32, #tpu.memory_space<hbm>>) target(%arg10 : memref<80x128xf32, #tpu.memory_space<vmem_shared>>) target_semaphore(%run_scoped3A : memref<!tpu.dma_semaphore, #tpu.memory_space<semaphore_mem>>)
        tpu.wait_dma2 semaphore(%run_scoped3A : memref<!tpu.dma_semaphore, #tpu.memory_space<semaphore_mem>>) src(%arg5 : memref<80x128xf32, #tpu.memory_space<hbm>>) dst(%arg10 : memref<80x128xf32, #tpu.memory_space<vmem_shared>>)
        tpu.yield
      }) : () -> ()
      "tpu.region"() ({
        %run_scoped3A = tpu.sem_alloc : memref<!tpu.dma_semaphore, #tpu.memory_space<semaphore_mem>>
        %dma_start3A = arith.constant 0 : i32
        %dma_start3A_4 = arith.constant 0 : i32
        %dma_start3A_5 = tpu.memref_slice %arg4[%dma_start3A, %dma_start3A_4] : memref<80x128xf32, #tpu.memory_space<hbm>> -> memref<80x128xf32, #tpu.memory_space<hbm>>
        tpu.enqueue_indirect_dma source(%dma_start3A_5 : memref<80x128xf32, #tpu.memory_space<hbm>>) target(%arg9 : memref<240x128xf32, #tpu.memory_space<vmem>>) offsets(%arg7 : memref<240xi32, #tpu.memory_space<vmem>>) semaphore(%run_scoped3A : memref<!tpu.dma_semaphore, #tpu.memory_space<semaphore_mem>>)
        %dma_wait3A = arith.constant 0 : i32
        %dma_wait3A_6 = arith.constant 0 : i32
        %dma_wait3A_7 = tpu.memref_slice %arg4[%dma_wait3A, %dma_wait3A_6] : memref<80x128xf32, #tpu.memory_space<hbm>> -> memref<80x128xf32, #tpu.memory_space<hbm>>
        tpu.wait_indirect_dma semaphore(%run_scoped3A : memref<!tpu.dma_semaphore, #tpu.memory_space<semaphore_mem>>) src(%dma_wait3A_7 : memref<80x128xf32, #tpu.memory_space<hbm>>) dst(%arg9 : memref<240x128xf32, #tpu.memory_space<vmem>>)
        tpu.yield
      }) : () -> ()
      "tpu.region"() ({
        %run_scoped3A = tpu.sem_alloc : memref<!tpu.dma_semaphore, #tpu.memory_space<semaphore_mem>>
        %dma_start3A = arith.constant 0 : i32
        %dma_start3A_4 = arith.constant 0 : i32
        %dma_start3A_5 = tpu.memref_slice %arg10[%dma_start3A, %dma_start3A_4] : memref<80x128xf32, #tpu.memory_space<vmem_shared>> -> memref<80x128xf32, #tpu.memory_space<vmem_shared>>
        tpu.enqueue_indirect_dma source(%arg9 : memref<240x128xf32, #tpu.memory_space<vmem>>) target(%dma_start3A_5 : memref<80x128xf32, #tpu.memory_space<vmem_shared>>) offsets(%arg8 : memref<240xi32, #tpu.memory_space<vmem>>) semaphore(%run_scoped3A : memref<!tpu.dma_semaphore, #tpu.memory_space<semaphore_mem>>) {add = true}
        %dma_wait3A = arith.constant 0 : i32
        %dma_wait3A_6 = arith.constant 0 : i32
        %dma_wait3A_7 = tpu.memref_slice %arg10[%dma_wait3A, %dma_wait3A_6] : memref<80x128xf32, #tpu.memory_space<vmem_shared>> -> memref<80x128xf32, #tpu.memory_space<vmem_shared>>
        tpu.wait_indirect_dma semaphore(%run_scoped3A : memref<!tpu.dma_semaphore, #tpu.memory_space<semaphore_mem>>) src(%arg9 : memref<240x128xf32, #tpu.memory_space<vmem>>) dst(%dma_wait3A_7 : memref<80x128xf32, #tpu.memory_space<vmem_shared>>)
        tpu.yield
      }) : () -> ()
      "tpu.region"() ({
        %run_scoped3A = tpu.sem_alloc : memref<!tpu.dma_semaphore, #tpu.memory_space<semaphore_mem>>
        tpu.enqueue_dma source(%arg10 : memref<80x128xf32, #tpu.memory_space<vmem_shared>>) target(%arg6 : memref<80x128xf32, #tpu.memory_space<hbm>>) target_semaphore(%run_scoped3A : memref<!tpu.dma_semaphore, #tpu.memory_space<semaphore_mem>>)
        tpu.wait_dma2 semaphore(%run_scoped3A : memref<!tpu.dma_semaphore, #tpu.memory_space<semaphore_mem>>) src(%arg10 : memref<80x128xf32, #tpu.memory_space<vmem_shared>>) dst(%arg6 : memref<80x128xf32, #tpu.memory_space<hbm>>)
        tpu.yield
      }) : () -> ()
    } else {
    }
    return
  }
}

module attributes {stable_mosaic.version = 14 : i64} {
  func.func @_norm_body(%arg0: memref<80x128xf32, #tpu.memory_space<vmem>>, %arg1: memref<80x128xf32, #tpu.memory_space<vmem>>) attributes {dimension_semantics = [], scalar_prefetch = 0 : i64, scratch_operands = 0 : i64, tpu.core_type = #tpu.core_type<tc>} {
    %get3A = arith.constant 0 : index
    %get3A_0 = arith.constant 0 : index
    %get3A_1 = vector.load %arg0[%get3A, %get3A_0] : memref<80x128xf32, #tpu.memory_space<vmem>>, vector<80x80xf32>
    %reduce_sum3A = arith.constant dense<0.000000e+00> : vector<80xf32>
    %reduce_sum3A_2 = vector.multi_reduction <add>, %get3A_1, %reduce_sum3A [1] : vector<80x80xf32> to vector<80xf32>
    %broadcast_in_dim3A = vector.shape_cast %reduce_sum3A_2 : vector<80xf32> to vector<80x1xf32>
    %gt3A = arith.constant 0.000000e+00 : f32
    %gt3A_3 = vector.broadcast %gt3A : f32 to vector<80x1xf32>
    %gt3A_4 = arith.cmpf ogt, %broadcast_in_dim3A, %gt3A_3 : vector<80x1xf32>
    %rsqrt3A = math.rsqrt %broadcast_in_dim3A : vector<80x1xf32>
    %jit3A = arith.constant 0.000000e+00 : f32
    %broadcast_in_dim3A_5 = vector.broadcast %jit3A : f32 to vector<80x1xf32>
    %select_n3A = arith.select %gt3A_4, %rsqrt3A, %broadcast_in_dim3A_5 : vector<80x1xi1>, vector<80x1xf32>
    %mul3A = vector.broadcast %select_n3A : vector<80x1xf32> to vector<80x80xf32>
    %mul3A_6 = arith.mulf %get3A_1, %mul3A : vector<80x80xf32>
    %transpose3A = tpu.transpose %select_n3A, [1, 0] : vector<80x1xf32> -> vector<1x80xf32>
    %mul3A_7 = vector.broadcast %transpose3A : vector<1x80xf32> to vector<80x80xf32>
    %mul3A_8 = arith.mulf %mul3A_6, %mul3A_7 : vector<80x80xf32>
    %jit3A_9 = arith.constant 0 : i32
    %convert_element_type3A = arith.sitofp %jit3A_9 : i32 to f32
    %pad3A = vector.broadcast %convert_element_type3A : f32 to vector<80x48xf32>
    %pad3A_10 = tpu.concatenate %mul3A_8, %pad3A in 1 : vector<80x80xf32>, vector<80x48xf32> -> vector<80x128xf32>
    %swap3A = arith.constant 0 : index
    %swap3A_11 = arith.constant 0 : index
    %swap3A_12 = vector.load %arg1[%swap3A, %swap3A_11] : memref<80x128xf32, #tpu.memory_space<vmem>>, vector<80x128xf32>
    tpu.vector_store %arg1[%swap3A, %swap3A_11], %pad3A_10 {strides = array<i32>} : memref<80x128xf32, #tpu.memory_space<vmem>>, vector<80x128xf32>,
    return
  }
}

module attributes {stable_mosaic.version = 14 : i64} {
  func.func @_main_body(%arg0: i32, %arg1: memref<1x80x88x8xf32, #tpu.memory_space<vmem>>, %arg2: memref<80x128xf32, #tpu.memory_space<vmem>>, %arg3: memref<8x128xf32, #tpu.memory_space<vmem>>, %arg4: memref<1x128xf32, #tpu.memory_space<vmem>>, %arg5: memref<128x384xf32, #tpu.memory_space<vmem>>, %arg6: memref<1x128xf32, #tpu.memory_space<vmem>>, %arg7: memref<1x128xf32, #tpu.memory_space<vmem>>, %arg8: memref<1x128xf32, #tpu.memory_space<vmem>>, %arg9: memref<1x128xf32, #tpu.memory_space<vmem>>, %arg10: memref<1x128xf32, #tpu.memory_space<vmem>>, %arg11: memref<128x128xf32, #tpu.memory_space<vmem>>, %arg12: memref<1x128xf32, #tpu.memory_space<vmem>>, %arg13: memref<128x384xf32, #tpu.memory_space<vmem>>, %arg14: memref<1x128xf32, #tpu.memory_space<vmem>>, %arg15: memref<1x128xf32, #tpu.memory_space<vmem>>, %arg16: memref<1x128xf32, #tpu.memory_space<vmem>>, %arg17: memref<1x128xf32, #tpu.memory_space<vmem>>, %arg18: memref<1x128xf32, #tpu.memory_space<vmem>>, %arg19: memref<128x64xf32, #tpu.memory_space<vmem>>, %arg20: memref<1x64xf32, #tpu.memory_space<vmem>>, %arg21: memref<64x100xf32, #tpu.memory_space<vmem>>, %arg22: memref<1x100xf32, #tpu.memory_space<vmem>>, %arg23: memref<1x1x100xf32, #tpu.memory_space<vmem>>) attributes {dimension_semantics = [#tpu.dimension_semantics<arbitrary>], iteration_bounds = array<i64: 8>, scalar_prefetch = 0 : i64, scratch_operands = 0 : i64, tpu.core_type = #tpu.core_type<tc>, window_params = [{transform_indices = @transform_0, window_bounds = array<i64: 1, 80, 88, 8>}, {pipeline_mode = #tpu.pipeline_mode<synchronous>, transform_indices = @transform_1, window_bounds = array<i64: 80, 128>}, {pipeline_mode = #tpu.pipeline_mode<synchronous>, transform_indices = @transform_2, window_bounds = array<i64: 8, 128>}, {pipeline_mode = #tpu.pipeline_mode<synchronous>, transform_indices = @transform_3, window_bounds = array<i64: 1, 128>}, {pipeline_mode = #tpu.pipeline_mode<synchronous>, transform_indices = @transform_4, window_bounds = array<i64: 128, 384>}, {pipeline_mode = #tpu.pipeline_mode<synchronous>, transform_indices = @transform_5, window_bounds = array<i64: 1, 128>}, {pipeline_mode = #tpu.pipeline_mode<synchronous>, transform_indices = @transform_6, window_bounds = array<i64: 1, 128>}, {pipeline_mode = #tpu.pipeline_mode<synchronous>, transform_indices = @transform_7, window_bounds = array<i64: 1, 128>}, {pipeline_mode = #tpu.pipeline_mode<synchronous>, transform_indices = @transform_8, window_bounds = array<i64: 1, 128>}, {pipeline_mode = #tpu.pipeline_mode<synchronous>, transform_indices = @transform_9, window_bounds = array<i64: 1, 128>}, {pipeline_mode = #tpu.pipeline_mode<synchronous>, transform_indices = @transform_10, window_bounds = array<i64: 128, 128>}, {pipeline_mode = #tpu.pipeline_mode<synchronous>, transform_indices = @transform_11, window_bounds = array<i64: 1, 128>}, {pipeline_mode = #tpu.pipeline_mode<synchronous>, transform_indices = @transform_12, window_bounds = array<i64: 128, 384>}, {pipeline_mode = #tpu.pipeline_mode<synchronous>, transform_indices = @transform_13, window_bounds = array<i64: 1, 128>}, {pipeline_mode = #tpu.pipeline_mode<synchronous>, transform_indices = @transform_14, window_bounds = array<i64: 1, 128>}, {pipeline_mode = #tpu.pipeline_mode<synchronous>, transform_indices = @transform_15, window_bounds = array<i64: 1, 128>}, {pipeline_mode = #tpu.pipeline_mode<synchronous>, transform_indices = @transform_16, window_bounds = array<i64: 1, 128>}, {pipeline_mode = #tpu.pipeline_mode<synchronous>, transform_indices = @transform_17, window_bounds = array<i64: 1, 128>}, {pipeline_mode = #tpu.pipeline_mode<synchronous>, transform_indices = @transform_18, window_bounds = array<i64: 128, 64>}, {pipeline_mode = #tpu.pipeline_mode<synchronous>, transform_indices = @transform_19, window_bounds = array<i64: 1, 64>}, {pipeline_mode = #tpu.pipeline_mode<synchronous>, transform_indices = @transform_20, window_bounds = array<i64: 64, 100>}, {pipeline_mode = #tpu.pipeline_mode<synchronous>, transform_indices = @transform_21, window_bounds = array<i64: 1, 100>}, {transform_indices = @transform_22, window_bounds = array<i64: 1, 1, 100>}]} {
    %get3A = arith.constant 0 : index
    %get3A_0 = arith.constant 0 : index
    %get3A_1 = vector.load %arg2[%get3A, %get3A_0] : memref<80x128xf32, #tpu.memory_space<vmem>>, vector<80x80xf32>
    %iota3A = tpu.iota {dimensions = array<i32: 0>} : vector<7040x1xi32>
    %jit3A = arith.constant 88 : i32
    %eq3A = arith.constant 0 : i32
    %eq3A_2 = arith.cmpi eq, %jit3A, %eq3A : i32
    %jit3A_3 = arith.constant 1 : i32
    %select_n3A = arith.select %eq3A_2, %jit3A_3, %jit3A : i32
    %rem3A = vector.broadcast %select_n3A : i32 to vector<7040x1xi32>
    %rem3A_4 = arith.remsi %iota3A, %rem3A : vector<7040x1xi32>
    %ne3A = arith.constant 0 : i32
    %ne3A_5 = vector.broadcast %ne3A : i32 to vector<7040x1xi32>
    %ne3A_6 = arith.cmpi ne, %rem3A_4, %ne3A_5 : vector<7040x1xi32>
    %lt3A = arith.constant 0 : i32
    %lt3A_7 = vector.broadcast %lt3A : i32 to vector<7040x1xi32>
    %lt3A_8 = arith.cmpi slt, %rem3A_4, %lt3A_7 : vector<7040x1xi32>
    %lt3A_9 = arith.constant 0 : i32
    %lt3A_10 = arith.cmpi slt, %select_n3A, %lt3A_9 : i32
    %ne3A_11 = vector.broadcast %lt3A_10 : i1 to vector<7040x1xi1>
    %ne3A_12 = vector.broadcast %ne3A_11 : vector<7040x1xi1> to vector<7040x1xi1>
    %ne3A_13 = arith.xori %lt3A_8, %ne3A_12 : vector<7040x1xi1>
    %and3A = arith.andi %ne3A_13, %ne3A_6 : vector<7040x1xi1>
    %add3A = vector.broadcast %select_n3A : i32 to vector<7040x1xi32>
    %add3A_14 = arith.addi %rem3A_4, %add3A : vector<7040x1xi32>
    %select_n3A_15 = arith.select %and3A, %add3A_14, %rem3A_4 : vector<7040x1xi1>, vector<7040x1xi32>
    %mul3A = arith.constant 80 : i32
    %mul3A_16 = arith.muli %arg0, %mul3A : i32
    %sub3A = arith.constant 4 : i32
    %sub3A_17 = arith.subi %mul3A_16, %sub3A : i32
    %add3A_18 = vector.broadcast %sub3A_17 : i32 to vector<7040x1xi32>
    %add3A_19 = arith.addi %select_n3A_15, %add3A_18 : vector<7040x1xi32>
    %ge3A = arith.constant 0 : i32
    %ge3A_20 = vector.broadcast %ge3A : i32 to vector<7040x1xi32>
    %ge3A_21 = arith.cmpi sge, %add3A_19, %ge3A_20 : vector<7040x1xi32>
    %lt3A_22 = arith.constant 640 : i32
    %lt3A_23 = vector.broadcast %lt3A_22 : i32 to vector<7040x1xi32>
    %lt3A_24 = arith.cmpi slt, %add3A_19, %lt3A_23 : vector<7040x1xi32>
    %and3A_25 = arith.andi %ge3A_21, %lt3A_24 : vector<7040x1xi1>
    %convert_element_type3A = arith.extui %and3A_25 : vector<7040x1xi1> to vector<7040x1xi32>
    %convert_element_type3A_26 = arith.sitofp %convert_element_type3A : vector<7040x1xi32> to vector<7040x1xf32>
    %get3A_27 = arith.constant 0 : index
    %get3A_28 = arith.constant 0 : index
    %get3A_29 = vector.load %arg7[%get3A_27, %get3A_28] : memref<1x128xf32, #tpu.memory_space<vmem>>, vector<1x128xf32>
    %get3A_30 = arith.constant 0 : index
    %get3A_31 = arith.constant 0 : index
    %get3A_32 = vector.load %arg10[%get3A_30, %get3A_31] : memref<1x128xf32, #tpu.memory_space<vmem>>, vector<1x128xf32>
    %add3A_33 = arith.constant 9.99999974E-6 : f32
    %add3A_34 = vector.broadcast %add3A_33 : f32 to vector<1x128xf32>
    %add3A_35 = arith.addf %get3A_32, %add3A_34 : vector<1x128xf32>
    %rsqrt3A = math.rsqrt %add3A_35 : vector<1x128xf32>
    %mul3A_36 = arith.mulf %get3A_29, %rsqrt3A : vector<1x128xf32>
    %get3A_37 = arith.constant 0 : index
    %get3A_38 = arith.constant 0 : index
    %get3A_39 = vector.load %arg8[%get3A_37, %get3A_38] : memref<1x128xf32, #tpu.memory_space<vmem>>, vector<1x128xf32>
    %get3A_40 = arith.constant 0 : index
    %get3A_41 = arith.constant 0 : index
    %get3A_42 = vector.load %arg9[%get3A_40, %get3A_41] : memref<1x128xf32, #tpu.memory_space<vmem>>, vector<1x128xf32>
    %mul3A_43 = arith.mulf %get3A_42, %mul3A_36 : vector<1x128xf32>
    %sub3A_44 = arith.subf %get3A_39, %mul3A_43 : vector<1x128xf32>
    %get3A_45 = arith.constant 0 : index
    %get3A_46 = arith.constant 0 : index
    %get3A_47 = vector.load %arg15[%get3A_45, %get3A_46] : memref<1x128xf32, #tpu.memory_space<vmem>>, vector<1x128xf32>
    %get3A_48 = arith.constant 0 : index
    %get3A_49 = arith.constant 0 : index
    %get3A_50 = vector.load %arg18[%get3A_48, %get3A_49] : memref<1x128xf32, #tpu.memory_space<vmem>>, vector<1x128xf32>
    %add3A_51 = arith.constant 9.99999974E-6 : f32
    %add3A_52 = vector.broadcast %add3A_51 : f32 to vector<1x128xf32>
    %add3A_53 = arith.addf %get3A_50, %add3A_52 : vector<1x128xf32>
    %rsqrt3A_54 = math.rsqrt %add3A_53 : vector<1x128xf32>
    %mul3A_55 = arith.mulf %get3A_47, %rsqrt3A_54 : vector<1x128xf32>
    %get3A_56 = arith.constant 0 : index
    %get3A_57 = arith.constant 0 : index
    %get3A_58 = vector.load %arg16[%get3A_56, %get3A_57] : memref<1x128xf32, #tpu.memory_space<vmem>>, vector<1x128xf32>
    %get3A_59 = arith.constant 0 : index
    %get3A_60 = arith.constant 0 : index
    %get3A_61 = vector.load %arg17[%get3A_59, %get3A_60] : memref<1x128xf32, #tpu.memory_space<vmem>>, vector<1x128xf32>
    %mul3A_62 = arith.mulf %get3A_61, %mul3A_55 : vector<1x128xf32>
    %sub3A_63 = arith.subf %get3A_58, %mul3A_62 : vector<1x128xf32>
    %get3A_64 = arith.constant 0 : index
    %get3A_65 = arith.constant 0 : index
    %get3A_66 = arith.constant 0 : index
    %get3A_67 = arith.constant 0 : index
    %get3A_68 = vector.load %arg1[%get3A_64, %get3A_65, %get3A_66, %get3A_67] : memref<1x80x88x8xf32, #tpu.memory_space<vmem>>, vector<1x80x88x8xf32>
    %get3A_69 = vector.shape_cast %get3A_68 : vector<1x80x88x8xf32> to vector<80x88x8xf32>
    %reshape3A = vector.shape_cast %get3A_69 : vector<80x88x8xf32> to vector<7040x8xf32>
    %get3A_70 = arith.constant 0 : index
    %get3A_71 = arith.constant 0 : index
    %get3A_72 = vector.load %arg3[%get3A_70, %get3A_71] : memref<8x128xf32, #tpu.memory_space<vmem>>, vector<8x128xf32>
    %dot_general3A = arith.constant dense<0.000000e+00> : vector<7040x128xf32>
    %dot_general3A_73 = tpu.matmul %reshape3A, %get3A_72, %dot_general3A {dimension_numbers = #tpu.dot_dimension_numbers<[1], [0], [0], [1], [0, 0, 1, 1], [], []>, transpose_lhs_hint = false} : vector<7040x8xf32>, vector<8x128xf32>, vector<7040x128xf32> -> vector<7040x128xf32>
    %reshape3A_74 = vector.shape_cast %dot_general3A_73 : vector<7040x128xf32> to vector<80x11264xf32>
    %dot_general3A_75 = arith.constant dense<0.000000e+00> : vector<80x11264xf32>
    %dot_general3A_76 = tpu.matmul %get3A_1, %reshape3A_74, %dot_general3A_75 {dimension_numbers = #tpu.dot_dimension_numbers<[1], [0], [0], [1], [0, 0, 1, 1], [], []>, transpose_lhs_hint = false} : vector<80x80xf32>, vector<80x11264xf32>, vector<80x11264xf32> -> vector<80x11264xf32>
    %reshape3A_77 = vector.shape_cast %dot_general3A_76 : vector<80x11264xf32> to vector<7040x128xf32>
    %get3A_78 = arith.constant 0 : index
    %get3A_79 = arith.constant 0 : index
    %get3A_80 = vector.load %arg4[%get3A_78, %get3A_79] : memref<1x128xf32, #tpu.memory_space<vmem>>, vector<1x128xf32>
    %add3A_81 = vector.broadcast %get3A_80 : vector<1x128xf32> to vector<7040x128xf32>
    %add3A_82 = arith.addf %reshape3A_77, %add3A_81 : vector<7040x128xf32>
    %mul3A_83 = vector.broadcast %convert_element_type3A_26 : vector<7040x1xf32> to vector<7040x128xf32>
    %mul3A_84 = arith.mulf %add3A_82, %mul3A_83 : vector<7040x128xf32>
    %get3A_85 = arith.constant 0 : index
    %get3A_86 = arith.constant 0 : index
    %get3A_87 = vector.load %arg5[%get3A_85, %get3A_86] : memref<128x384xf32, #tpu.memory_space<vmem>>, vector<128x384xf32>
    %dot_general3A_88 = arith.constant dense<0.000000e+00> : vector<7040x384xf32>
    %dot_general3A_89 = tpu.matmul %mul3A_84, %get3A_87, %dot_general3A_88 {dimension_numbers = #tpu.dot_dimension_numbers<[1], [0], [0], [1], [0, 0, 1, 1], [], []>, transpose_lhs_hint = false} : vector<7040x128xf32>, vector<128x384xf32>, vector<7040x384xf32> -> vector<7040x384xf32>
    %slice3A = vector.extract_strided_slice %dot_general3A_89 {offsets = [0, 0], sizes = [7040, 128], strides = [1, 1]} : vector<7040x384xf32> to vector<7040x128xf32>
    %roll3A = arith.constant 1 : i32
    %roll3A_90 = tpu.dynamic_rotate %slice3A by %roll3A dim 0 : vector<7040x128xf32>, i32 -> vector<7040x128xf32>
    %slice3A_91 = vector.extract_strided_slice %dot_general3A_89 {offsets = [0, 128], sizes = [7040, 128], strides = [1, 1]} : vector<7040x384xf32> to vector<7040x128xf32>
    %add3A_92 = arith.addf %roll3A_90, %slice3A_91 : vector<7040x128xf32>
    %slice3A_93 = vector.extract_strided_slice %dot_general3A_89 {offsets = [0, 256], sizes = [7040, 128], strides = [1, 1]} : vector<7040x384xf32> to vector<7040x128xf32>
    %roll3A_94 = arith.constant 7039 : i32
    %roll3A_95 = tpu.dynamic_rotate %slice3A_93 by %roll3A_94 dim 0 : vector<7040x128xf32>, i32 -> vector<7040x128xf32>
    %add3A_96 = arith.addf %add3A_92, %roll3A_95 : vector<7040x128xf32>
    %get3A_97 = arith.constant 0 : index
    %get3A_98 = arith.constant 0 : index
    %get3A_99 = vector.load %arg6[%get3A_97, %get3A_98] : memref<1x128xf32, #tpu.memory_space<vmem>>, vector<1x128xf32>
    %add3A_100 = vector.broadcast %get3A_99 : vector<1x128xf32> to vector<7040x128xf32>
    %add3A_101 = arith.addf %add3A_96, %add3A_100 : vector<7040x128xf32>
    %mul3A_102 = vector.broadcast %mul3A_36 : vector<1x128xf32> to vector<7040x128xf32>
    %mul3A_103 = arith.mulf %add3A_101, %mul3A_102 : vector<7040x128xf32>
    %add3A_104 = vector.broadcast %sub3A_44 : vector<1x128xf32> to vector<7040x128xf32>
    %add3A_105 = arith.addf %mul3A_103, %add3A_104 : vector<7040x128xf32>
    %max3A = arith.constant 0.000000e+00 : f32
    %max3A_106 = vector.broadcast %max3A : f32 to vector<7040x128xf32>
    %max3A_107 = arith.maximumf %add3A_105, %max3A_106 : vector<7040x128xf32>
    %get3A_108 = arith.constant 0 : index
    %get3A_109 = arith.constant 0 : index
    %get3A_110 = vector.load %arg11[%get3A_108, %get3A_109] : memref<128x128xf32, #tpu.memory_space<vmem>>, vector<128x128xf32>
    %dot_general3A_111 = arith.constant dense<0.000000e+00> : vector<7040x128xf32>
    %dot_general3A_112 = tpu.matmul %max3A_107, %get3A_110, %dot_general3A_111 {dimension_numbers = #tpu.dot_dimension_numbers<[1], [0], [0], [1], [0, 0, 1, 1], [], []>, transpose_lhs_hint = false} : vector<7040x128xf32>, vector<128x128xf32>, vector<7040x128xf32> -> vector<7040x128xf32>
    %reshape3A_113 = vector.shape_cast %dot_general3A_112 : vector<7040x128xf32> to vector<80x11264xf32>
    %dot_general3A_114 = arith.constant dense<0.000000e+00> : vector<80x11264xf32>
    %dot_general3A_115 = tpu.matmul %get3A_1, %reshape3A_113, %dot_general3A_114 {dimension_numbers = #tpu.dot_dimension_numbers<[1], [0], [0], [1], [0, 0, 1, 1], [], []>, transpose_lhs_hint = false} : vector<80x80xf32>, vector<80x11264xf32>, vector<80x11264xf32> -> vector<80x11264xf32>
    %reshape3A_116 = vector.shape_cast %dot_general3A_115 : vector<80x11264xf32> to vector<7040x128xf32>
    %get3A_117 = arith.constant 0 : index
    %get3A_118 = arith.constant 0 : index
    %get3A_119 = vector.load %arg12[%get3A_117, %get3A_118] : memref<1x128xf32, #tpu.memory_space<vmem>>, vector<1x128xf32>
    %add3A_120 = vector.broadcast %get3A_119 : vector<1x128xf32> to vector<7040x128xf32>
    %add3A_121 = arith.addf %reshape3A_116, %add3A_120 : vector<7040x128xf32>
    %mul3A_122 = vector.broadcast %convert_element_type3A_26 : vector<7040x1xf32> to vector<7040x128xf32>
    %mul3A_123 = arith.mulf %add3A_121, %mul3A_122 : vector<7040x128xf32>
    %get3A_124 = arith.constant 0 : index
    %get3A_125 = arith.constant 0 : index
    %get3A_126 = vector.load %arg13[%get3A_124, %get3A_125] : memref<128x384xf32, #tpu.memory_space<vmem>>, vector<128x384xf32>
    %dot_general3A_127 = arith.constant dense<0.000000e+00> : vector<7040x384xf32>
    %dot_general3A_128 = tpu.matmul %mul3A_123, %get3A_126, %dot_general3A_127 {dimension_numbers = #tpu.dot_dimension_numbers<[1], [0], [0], [1], [0, 0, 1, 1], [], []>, transpose_lhs_hint = false} : vector<7040x128xf32>, vector<128x384xf32>, vector<7040x384xf32> -> vector<7040x384xf32>
    %slice3A_129 = vector.extract_strided_slice %dot_general3A_128 {offsets = [0, 0], sizes = [7040, 128], strides = [1, 1]} : vector<7040x384xf32> to vector<7040x128xf32>
    %roll3A_130 = arith.constant 1 : i32
    %roll3A_131 = tpu.dynamic_rotate %slice3A_129 by %roll3A_130 dim 0 : vector<7040x128xf32>, i32 -> vector<7040x128xf32>
    %slice3A_132 = vector.extract_strided_slice %dot_general3A_128 {offsets = [0, 128], sizes = [7040, 128], strides = [1, 1]} : vector<7040x384xf32> to vector<7040x128xf32>
    %add3A_133 = arith.addf %roll3A_131, %slice3A_132 : vector<7040x128xf32>
    %slice3A_134 = vector.extract_strided_slice %dot_general3A_128 {offsets = [0, 256], sizes = [7040, 128], strides = [1, 1]} : vector<7040x384xf32> to vector<7040x128xf32>
    %roll3A_135 = arith.constant 7039 : i32
    %roll3A_136 = tpu.dynamic_rotate %slice3A_134 by %roll3A_135 dim 0 : vector<7040x128xf32>, i32 -> vector<7040x128xf32>
    %add3A_137 = arith.addf %add3A_133, %roll3A_136 : vector<7040x128xf32>
    %get3A_138 = arith.constant 0 : index
    %get3A_139 = arith.constant 0 : index
    %get3A_140 = vector.load %arg14[%get3A_138, %get3A_139] : memref<1x128xf32, #tpu.memory_space<vmem>>, vector<1x128xf32>
    %add3A_141 = vector.broadcast %get3A_140 : vector<1x128xf32> to vector<7040x128xf32>
    %add3A_142 = arith.addf %add3A_137, %add3A_141 : vector<7040x128xf32>
    %mul3A_143 = vector.broadcast %mul3A_55 : vector<1x128xf32> to vector<7040x128xf32>
    %mul3A_144 = arith.mulf %add3A_142, %mul3A_143 : vector<7040x128xf32>
    %add3A_145 = vector.broadcast %sub3A_63 : vector<1x128xf32> to vector<7040x128xf32>
    %add3A_146 = arith.addf %mul3A_144, %add3A_145 : vector<7040x128xf32>
    %max3A_147 = arith.constant 0.000000e+00 : f32
    %max3A_148 = vector.broadcast %max3A_147 : f32 to vector<7040x128xf32>
    %max3A_149 = arith.maximumf %add3A_146, %max3A_148 : vector<7040x128xf32>
    %jit3A_150 = arith.constant 88 : i32
    %div3A = vector.broadcast %jit3A_150 : i32 to vector<7040x1xi32>
    %div3A_151 = arith.divsi %iota3A, %div3A : vector<7040x1xi32>
    %sign3A = arith.constant 0 : i32
    %sign3A_152 = vector.broadcast %sign3A : i32 to vector<7040x1xi32>
    %sign3A_153 = arith.cmpi sgt, %iota3A, %sign3A_152 : vector<7040x1xi32>
    %sign3A_154 = arith.extui %sign3A_153 : vector<7040x1xi1> to vector<7040x1xi32>
    %sign3A_155 = arith.constant 0 : i32
    %sign3A_156 = vector.broadcast %sign3A_155 : i32 to vector<7040x1xi32>
    %sign3A_157 = arith.cmpi slt, %iota3A, %sign3A_156 : vector<7040x1xi32>
    %sign3A_158 = arith.extui %sign3A_157 : vector<7040x1xi1> to vector<7040x1xi32>
    %sign3A_159 = arith.subi %sign3A_154, %sign3A_158 : vector<7040x1xi32>
    %sign3A_160 = arith.constant 0 : i32
    %sign3A_161 = arith.cmpi sgt, %jit3A_150, %sign3A_160 : i32
    %sign3A_162 = arith.extui %sign3A_161 : i1 to i32
    %sign3A_163 = arith.constant 0 : i32
    %sign3A_164 = arith.cmpi slt, %jit3A_150, %sign3A_163 : i32
    %sign3A_165 = arith.extui %sign3A_164 : i1 to i32
    %sign3A_166 = arith.subi %sign3A_162, %sign3A_165 : i32
    %ne3A_167 = vector.broadcast %sign3A_166 : i32 to vector<7040x1xi32>
    %ne3A_168 = arith.cmpi ne, %sign3A_159, %ne3A_167 : vector<7040x1xi32>
    %rem3A_169 = vector.broadcast %jit3A_150 : i32 to vector<7040x1xi32>
    %rem3A_170 = arith.remsi %iota3A, %rem3A_169 : vector<7040x1xi32>
    %ne3A_171 = arith.constant 0 : i32
    %ne3A_172 = vector.broadcast %ne3A_171 : i32 to vector<7040x1xi32>
    %ne3A_173 = arith.cmpi ne, %rem3A_170, %ne3A_172 : vector<7040x1xi32>
    %and3A_174 = arith.andi %ne3A_168, %ne3A_173 : vector<7040x1xi1>
    %sub3A_175 = arith.constant 1 : i32
    %sub3A_176 = vector.broadcast %sub3A_175 : i32 to vector<7040x1xi32>
    %sub3A_177 = arith.subi %div3A_151, %sub3A_176 : vector<7040x1xi32>
    %select_n3A_178 = arith.select %and3A_174, %sub3A_177, %div3A_151 : vector<7040x1xi1>, vector<7040x1xi32>
    %lt3A_179 = arith.constant 75 : i32
    %lt3A_180 = vector.broadcast %lt3A_179 : i32 to vector<7040x1xi32>
    %lt3A_181 = arith.cmpi slt, %select_n3A_178, %lt3A_180 : vector<7040x1xi32>
    %convert_element_type3A_182 = arith.extui %lt3A_181 : vector<7040x1xi1> to vector<7040x1xi32>
    %convert_element_type3A_183 = arith.sitofp %convert_element_type3A_182 : vector<7040x1xi32> to vector<7040x1xf32>
    %ge3A_184 = arith.constant 4 : i32
    %ge3A_185 = vector.broadcast %ge3A_184 : i32 to vector<7040x1xi32>
    %ge3A_186 = arith.cmpi sge, %select_n3A_15, %ge3A_185 : vector<7040x1xi32>
    %lt3A_187 = arith.constant 84 : i32
    %lt3A_188 = vector.broadcast %lt3A_187 : i32 to vector<7040x1xi32>
    %lt3A_189 = arith.cmpi slt, %select_n3A_15, %lt3A_188 : vector<7040x1xi32>
    %and3A_190 = arith.andi %ge3A_186, %lt3A_189 : vector<7040x1xi1>
    %convert_element_type3A_191 = arith.extui %and3A_190 : vector<7040x1xi1> to vector<7040x1xi32>
    %convert_element_type3A_192 = arith.sitofp %convert_element_type3A_191 : vector<7040x1xi32> to vector<7040x1xf32>
    %mul3A_193 = arith.mulf %convert_element_type3A_183, %convert_element_type3A_192 : vector<7040x1xf32>
    %mul3A_194 = vector.broadcast %mul3A_193 : vector<7040x1xf32> to vector<7040x128xf32>
    %mul3A_195 = arith.mulf %max3A_149, %mul3A_194 : vector<7040x128xf32>
    %reduce_sum3A = arith.constant dense<0.000000e+00> : vector<128xf32>
    %reduce_sum3A_196 = vector.multi_reduction <add>, %mul3A_195, %reduce_sum3A [0] : vector<7040x128xf32> to vector<128xf32>
    %broadcast_in_dim3A = vector.shape_cast %reduce_sum3A_196 : vector<128xf32> to vector<1x128xf32>
    %mul3A_197 = arith.constant 1.66666665E-4 : f32
    %mul3A_198 = vector.broadcast %mul3A_197 : f32 to vector<1x128xf32>
    %mul3A_199 = arith.mulf %broadcast_in_dim3A, %mul3A_198 : vector<1x128xf32>
    %get3A_200 = arith.constant 0 : index
    %get3A_201 = arith.constant 0 : index
    %get3A_202 = vector.load %arg19[%get3A_200, %get3A_201] : memref<128x64xf32, #tpu.memory_space<vmem>>, vector<128x64xf32>
    %dot_general3A_203 = arith.constant dense<0.000000e+00> : vector<1x64xf32>
    %dot_general3A_204 = tpu.matmul %mul3A_199, %get3A_202, %dot_general3A_203 {dimension_numbers = #tpu.dot_dimension_numbers<[1], [0], [0], [1], [0, 0, 1, 1], [], []>, transpose_lhs_hint = false} : vector<1x128xf32>, vector<128x64xf32>, vector<1x64xf32> -> vector<1x64xf32>
    %get3A_205 = arith.constant 0 : index
    %get3A_206 = arith.constant 0 : index
    %get3A_207 = vector.load %arg20[%get3A_205, %get3A_206] : memref<1x64xf32, #tpu.memory_space<vmem>>, vector<1x64xf32>
    %add3A_208 = arith.addf %dot_general3A_204, %get3A_207 : vector<1x64xf32>
    %max3A_209 = arith.constant 0.000000e+00 : f32
    %max3A_210 = vector.broadcast %max3A_209 : f32 to vector<1x64xf32>
    %max3A_211 = arith.maximumf %add3A_208, %max3A_210 : vector<1x64xf32>
    %get3A_212 = arith.constant 0 : index
    %get3A_213 = arith.constant 0 : index
    %get3A_214 = vector.load %arg21[%get3A_212, %get3A_213] : memref<64x100xf32, #tpu.memory_space<vmem>>, vector<64x100xf32>
    %dot_general3A_215 = arith.constant dense<0.000000e+00> : vector<1x100xf32>
    %dot_general3A_216 = tpu.matmul %max3A_211, %get3A_214, %dot_general3A_215 {dimension_numbers = #tpu.dot_dimension_numbers<[1], [0], [0], [1], [0, 0, 1, 1], [], []>, transpose_lhs_hint = false} : vector<1x64xf32>, vector<64x100xf32>, vector<1x100xf32> -> vector<1x100xf32>
    %get3A_217 = arith.constant 0 : index
    %get3A_218 = arith.constant 0 : index
    %get3A_219 = vector.load %arg22[%get3A_217, %get3A_218] : memref<1x100xf32, #tpu.memory_space<vmem>>, vector<1x100xf32>
    %add3A_220 = arith.addf %dot_general3A_216, %get3A_219 : vector<1x100xf32>
    %reshape3A_221 = vector.shape_cast %add3A_220 : vector<1x100xf32> to vector<1x1x100xf32>
    %swap3A = arith.constant 0 : index
    %swap3A_222 = arith.constant 0 : index
    %swap3A_223 = arith.constant 0 : index
    %swap3A_224 = vector.load %arg23[%swap3A, %swap3A_222, %swap3A_223] : memref<1x1x100xf32, #tpu.memory_space<vmem>>, vector<1x1x100xf32>
    tpu.vector_store %arg23[%swap3A, %swap3A_222, %swap3A_223], %reshape3A_221 {strides = array<i32>} : memref<1x1x100xf32, #tpu.memory_space<vmem>>, vector<1x1x100xf32>,
    return
  }
  func.func @transform_0(%arg0: i32) -> (i32, i32, i32, i32) {
    %c0_i32 = arith.constant 0 : i32
    %c0_i32_0 = arith.constant 0 : i32
    %c0_i32_1 = arith.constant 0 : i32
    %c0_i32_2 = arith.constant 0 : i32
    return %arg0, %c0_i32, %c0_i32_0, %c0_i32_1 : i32, i32, i32, i32
  }
  func.func @transform_1(%arg0: i32) -> (i32, i32) {
    %c0_i32 = arith.constant 0 : i32
    %c0_i32_0 = arith.constant 0 : i32
    %c0_i32_1 = arith.constant 0 : i32
    return %c0_i32, %c0_i32_0 : i32, i32
  }
  func.func @transform_2(%arg0: i32) -> (i32, i32) {
    %c0_i32 = arith.constant 0 : i32
    %c0_i32_0 = arith.constant 0 : i32
    %c0_i32_1 = arith.constant 0 : i32
    return %c0_i32, %c0_i32_0 : i32, i32
  }
  func.func @transform_3(%arg0: i32) -> (i32, i32) {
    %c0_i32 = arith.constant 0 : i32
    %c0_i32_0 = arith.constant 0 : i32
    %c0_i32_1 = arith.constant 0 : i32
    return %c0_i32, %c0_i32_0 : i32, i32
  }
  func.func @transform_4(%arg0: i32) -> (i32, i32) {
    %c0_i32 = arith.constant 0 : i32
    %c0_i32_0 = arith.constant 0 : i32
    %c0_i32_1 = arith.constant 0 : i32
    return %c0_i32, %c0_i32_0 : i32, i32
  }
  func.func @transform_5(%arg0: i32) -> (i32, i32) {
    %c0_i32 = arith.constant 0 : i32
    %c0_i32_0 = arith.constant 0 : i32
    %c0_i32_1 = arith.constant 0 : i32
    return %c0_i32, %c0_i32_0 : i32, i32
  }
  func.func @transform_6(%arg0: i32) -> (i32, i32) {
    %c0_i32 = arith.constant 0 : i32
    %c0_i32_0 = arith.constant 0 : i32
    %c0_i32_1 = arith.constant 0 : i32
    return %c0_i32, %c0_i32_0 : i32, i32
  }
  func.func @transform_7(%arg0: i32) -> (i32, i32) {
    %c0_i32 = arith.constant 0 : i32
    %c0_i32_0 = arith.constant 0 : i32
    %c0_i32_1 = arith.constant 0 : i32
    return %c0_i32, %c0_i32_0 : i32, i32
  }
  func.func @transform_8(%arg0: i32) -> (i32, i32) {
    %c0_i32 = arith.constant 0 : i32
    %c0_i32_0 = arith.constant 0 : i32
    %c0_i32_1 = arith.constant 0 : i32
    return %c0_i32, %c0_i32_0 : i32, i32
  }
  func.func @transform_9(%arg0: i32) -> (i32, i32) {
    %c0_i32 = arith.constant 0 : i32
    %c0_i32_0 = arith.constant 0 : i32
    %c0_i32_1 = arith.constant 0 : i32
    return %c0_i32, %c0_i32_0 : i32, i32
  }
  func.func @transform_10(%arg0: i32) -> (i32, i32) {
    %c0_i32 = arith.constant 0 : i32
    %c0_i32_0 = arith.constant 0 : i32
    %c0_i32_1 = arith.constant 0 : i32
    return %c0_i32, %c0_i32_0 : i32, i32
  }
  func.func @transform_11(%arg0: i32) -> (i32, i32) {
    %c0_i32 = arith.constant 0 : i32
    %c0_i32_0 = arith.constant 0 : i32
    %c0_i32_1 = arith.constant 0 : i32
    return %c0_i32, %c0_i32_0 : i32, i32
  }
  func.func @transform_12(%arg0: i32) -> (i32, i32) {
    %c0_i32 = arith.constant 0 : i32
    %c0_i32_0 = arith.constant 0 : i32
    %c0_i32_1 = arith.constant 0 : i32
    return %c0_i32, %c0_i32_0 : i32, i32
  }
  func.func @transform_13(%arg0: i32) -> (i32, i32) {
    %c0_i32 = arith.constant 0 : i32
    %c0_i32_0 = arith.constant 0 : i32
    %c0_i32_1 = arith.constant 0 : i32
    return %c0_i32, %c0_i32_0 : i32, i32
  }
  func.func @transform_14(%arg0: i32) -> (i32, i32) {
    %c0_i32 = arith.constant 0 : i32
    %c0_i32_0 = arith.constant 0 : i32
    %c0_i32_1 = arith.constant 0 : i32
    return %c0_i32, %c0_i32_0 : i32, i32
  }
  func.func @transform_15(%arg0: i32) -> (i32, i32) {
    %c0_i32 = arith.constant 0 : i32
    %c0_i32_0 = arith.constant 0 : i32
    %c0_i32_1 = arith.constant 0 : i32
    return %c0_i32, %c0_i32_0 : i32, i32
  }
  func.func @transform_16(%arg0: i32) -> (i32, i32) {
    %c0_i32 = arith.constant 0 : i32
    %c0_i32_0 = arith.constant 0 : i32
    %c0_i32_1 = arith.constant 0 : i32
    return %c0_i32, %c0_i32_0 : i32, i32
  }
  func.func @transform_17(%arg0: i32) -> (i32, i32) {
    %c0_i32 = arith.constant 0 : i32
    %c0_i32_0 = arith.constant 0 : i32
    %c0_i32_1 = arith.constant 0 : i32
    return %c0_i32, %c0_i32_0 : i32, i32
  }
  func.func @transform_18(%arg0: i32) -> (i32, i32) {
    %c0_i32 = arith.constant 0 : i32
    %c0_i32_0 = arith.constant 0 : i32
    %c0_i32_1 = arith.constant 0 : i32
    return %c0_i32, %c0_i32_0 : i32, i32
  }
  func.func @transform_19(%arg0: i32) -> (i32, i32) {
    %c0_i32 = arith.constant 0 : i32
    %c0_i32_0 = arith.constant 0 : i32
    %c0_i32_1 = arith.constant 0 : i32
    return %c0_i32, %c0_i32_0 : i32, i32
  }
  func.func @transform_20(%arg0: i32) -> (i32, i32) {
    %c0_i32 = arith.constant 0 : i32
    %c0_i32_0 = arith.constant 0 : i32
    %c0_i32_1 = arith.constant 0 : i32
    return %c0_i32, %c0_i32_0 : i32, i32
  }
  func.func @transform_21(%arg0: i32) -> (i32, i32) {
    %c0_i32 = arith.constant 0 : i32
    %c0_i32_0 = arith.constant 0 : i32
    %c0_i32_1 = arith.constant 0 : i32
    return %c0_i32, %c0_i32_0 : i32, i32
  }
  func.func @transform_22(%arg0: i32) -> (i32, i32, i32) {
    %c0_i32 = arith.constant 0 : i32
    %c0_i32_0 = arith.constant 0 : i32
    %c0_i32_1 = arith.constant 0 : i32
    return %arg0, %c0_i32, %c0_i32_0 : i32, i32, i32
  }
}

</mosaic_0001>

<sc_bundles>
// kernel: kernel.5.cloned.1.call-start
scs
__scs_entry_jumppad:
0x0: {  	(pc) =	sbr.rel $0x88, $3  }
0x1: {  	(tag) =	ssettag $0x0;
	lr =	simm.s32 $0x1  }
0x2: {  	[smem:$0x3F8B] =	sst lr;
	_ =	strace $0xD0000000  }
0x3: {  	_ = 	snop  }
0x4: {  	_ = 	snop  }
0x5: {  	_ = 	snop  }
0x6: {  	_ = 	snop  }
0x7: {  	_ = 	snop  }
__scs_overlays_trampoline_lowered:
0x8: {  	[smem:$0x3F9A] =	sst s0  }
0x9: {  	[smem:$0x3F9B] =	sst s1  }
0xa: {  	[smem:$0x3F9C] =	sst s2  }
0xb: {  	[smem:$0x3F9D] =	sst s3  }
0xc: {  	[smem:$0x3F9E] =	sst s4  }
0xd: {  	[smem:$0x3F9F] =	sst s5  }
0xe: {  	[smem:$0x3FA0] =	sst s6  }
0xf: {  	[smem:$0x3FA1] =	sst s7  }
0x10: {  	[smem:$0x3FA2] =	sst s8  }
0x11: {  	[smem:$0x3FA3] =	sst s9;
	s0 =	simm.s32 @!p0 $0x0  }
0x12: {  	s1 =	sld [smem:$0x3F89];
	s0 =	simm.s32 @p0 $0x1  }
0x13: {  	[smem:$0x3FA4] =	sst s0;
	s0 =	simm.s32 @!p1 $0x0  }
0x14: {  	s2 =	sld [smem:$0x3F88];
	s0 =	simm.s32 @p1 $0x1  }
0x15: {  	[smem:$0x3FA5] =	sst s0;
	s0 =	simm.s32 @!p2 $0x0  }
0x16: {  	s3 =	sld [smem:$0x3FDB];
	s0 =	simm.s32 @p2 $0x1  }
0x17: {  	s4 =	simm.s32 $0x1BF5;
	[smem:$0x3FA7] =	sst s0  }
0x18: {  	s0 =	sld [smem:$0x3F8A];
	_ =	swait.ge [sflag:s4], $0x0  }
0x19: {  	s7 =	sld [smem:$0x3F8B]  }
0x1a: {  	s8 =	sadd.s32 $0xFFFFE003, lr  }
0x1b: {  	s9 =	sadd.s32 $0xFFFFFEF7, lr;
	s5 =	simm.s32 $0xFFFFFFFF;
	p2 =	slt.u32 s8, $0xFFFFF086  }
0x1c: {  	p1 =	slt.u32 s9, $0xF7A;
	s5 =	simm.s32 @!p2 $0x0  }
0x1d: {  	s5 =	simm.s32 @p1 $0x1;
	p0 =	seq.s32 s7, s2  }
0x1e: {  	s7 =	smul.u32 @!p0 $0xF7A, s2;
	p2 =	seq.s32 @!p0 s5, $0x0  }
0x1f: {  	s9 =	smul.u32 $0xF7A, s1;
	s8 =	simm.s32 @!p0 $0x1BF5;
	p2 =	por !p2, p0  }
0x20: {  	[sflag:s8] =	ssyncset.s32 @!p0 $0xFFFFF086;
	s6 =	sadd.s32 @!p0 s3, s7;
	s7 =	simm.s32 @!p0 $0x108  }
0x21: {  	s3 =	sadd.s32 s3, s9;
	s6 =	sadd.s32 @!p0 $0x88, s6;
	s7 =	simm.s32 @p2 $0x1082  }
0x22: {  	[simem:s7], [sflag:s8] =	dma.local @!p0 [hbm:s6], $0xF7A  }
0x23: {  	s9 =	sor.u32 $0xD0000000, s2;
	s6 =	simm.s32 $0x108;
	_ =	swait.ge @!p0 [sflag:s8], $0x0  }
0x24: {  	s3 =	sadd.s32 $0x88, s3;
	s6 =	simm.s32 @!p1 $0x1082;
	[sflag:s4] =	ssyncset.s32 $0xFFFFF086  }
0x25: {  	[simem:s6], [sflag:s4] =	dma.local [hbm:s3], $0xF7A  }
0x26: {  	[smem:$0x3F8B] =	sst s1;
	(tag) =	ssettag s2;
	_ =	strace s9  }
0x27: {  	s1 =	sld [smem:$0x3F9B]  }
0x28: {  	s2 =	sld [smem:$0x3F9C]  }
0x29: {  	s4 =	sld [smem:$0x3F9E]  }
0x2a: {  	p0 =	seq.s32 s5, $0x0;
	s5 =	sld [smem:$0x3F9F]  }
0x2b: {  	s6 =	sld [smem:$0x3FA0]  }
0x2c: {  	s7 =	sld [smem:$0x3FA1]  }
0x2d: {  	s3 =	simm.s32 $0x108;
	s8 =	sld [smem:$0x3FA2]  }
0x2e: {  	s3 =	simm.s32 @!p0 $0x1082;
	s9 =	sld [smem:$0x3FA3]  }
0x2f: {  	lr =	sadd.s32 s0, s3;
	s0 =	sld [smem:$0x3F9A]  }
0x30: {  	s3 =	sld [smem:$0x3F9D]  }
0x31: {  	[smem:$0x3FA6] =	sst s10  }
0x32: {  	s10 =	sld [smem:$0x3FA4];
	_ =	sdelay $0x3  }
0x33: {  	p0 =	seq.s32 s10, $0x1;
	s10 =	sld [smem:$0x3FA6];
	_ =	sdelay $0x3  }
0x34: {  	[smem:$0x3FA6] =	sst s10  }
0x35: {  	s10 =	sld [smem:$0x3FA5];
	_ =	sdelay $0x3  }
0x36: {  	p1 =	seq.s32 s10, $0x1;
	s10 =	sld [smem:$0x3FA6];
	_ =	sdelay $0x3  }
0x37: {  	[smem:$0x3FA6] =	sst s10  }
0x38: {  	s10 =	sld [smem:$0x3FA7]  }
0x39: {  	_ = 	snop;
	(pc) =	sbr.ind lr, $3  }
0x3a: {  	_ = 	snop  }
0x3b: {  	_ = 	snop  }
0x3c: {  	p2 =	seq.s32 s10, $0x1;
	s10 =	sld [smem:$0x3FA6]  }
0x3d: {  	_ =	shalt  }
0x3e: {  	_ =	shalt  }
0x3f: {  	_ =	shalt  }
0x40: {  	_ =	shalt  }
0x41: {  	_ =	shalt  }
0x42: {  	_ =	shalt  }
0x43: {  	_ =	shalt  }
0x44: {  	_ =	shalt  }
0x45: {  	_ =	shalt  }
0x46: {  	_ =	shalt  }
0x47: {  	_ =	shalt  }
0x48: {  	_ =	shalt  }
0x49: {  	_ =	shalt  }
0x4a: {  	_ =	shalt  }
0x4b: {  	_ =	shalt  }
0x4c: {  	_ =	shalt  }
0x4d: {  	_ =	shalt  }
0x4e: {  	_ =	shalt  }
0x4f: {  	_ =	shalt  }
0x50: {  	_ =	shalt  }
0x51: {  	_ =	shalt  }
0x52: {  	_ =	shalt  }
0x53: {  	_ =	shalt  }
0x54: {  	_ =	shalt  }
0x55: {  	_ =	shalt  }
0x56: {  	_ =	shalt  }
0x57: {  	_ =	shalt  }
0x58: {  	_ =	shalt  }
0x59: {  	_ =	shalt  }
0x5a: {  	_ =	shalt  }
0x5b: {  	_ =	shalt  }
0x5c: {  	_ =	shalt  }
0x5d: {  	_ =	shalt  }
0x5e: {  	_ =	shalt  }
0x5f: {  	_ =	shalt  }
0x60: {  	_ =	shalt  }
0x61: {  	_ =	shalt  }
0x62: {  	_ =	shalt  }
0x63: {  	_ =	shalt  }
0x64: {  	_ =	shalt  }
0x65: {  	_ =	shalt  }
0x66: {  	_ =	shalt  }
0x67: {  	_ =	shalt  }
0x68: {  	_ =	shalt  }
0x69: {  	_ =	shalt  }
0x6a: {  	_ =	shalt  }
0x6b: {  	_ =	shalt  }
0x6c: {  	_ =	shalt  }
0x6d: {  	_ =	shalt  }
0x6e: {  	_ =	shalt  }
0x6f: {  	_ =	shalt  }
0x70: {  	_ =	shalt  }
0x71: {  	_ =	shalt  }
0x72: {  	_ =	shalt  }
0x73: {  	_ =	shalt  }
0x74: {  	_ =	shalt  }
0x75: {  	_ =	shalt  }
0x76: {  	_ =	shalt  }
0x77: {  	_ =	shalt  }
0x78: {  	_ =	shalt  }
0x79: {  	_ =	shalt  }
0x7a: {  	_ =	shalt  }
0x7b: {  	_ =	shalt  }
0x7c: {  	_ =	shalt  }
0x7d: {  	_ =	shalt  }
0x7e: {  	_ =	shalt  }
0x7f: {  	_ =	shalt  }
0x80: {  	_ =	shalt  }
0x81: {  	_ =	shalt  }
0x82: {  	_ =	shalt  }
0x83: {  	_ =	shalt  }
0x84: {  	_ =	shalt  }
0x85: {  	_ =	shalt  }
0x86: {  	_ =	shalt  }
0x87: {  	_ =	shalt  }
.Lfunc_end0:
.L_simem_size_0:
called_computation_lowered:
.L_overlay_start_0:
0x88: {  	s2 =	sld [smem:$0x3FD9]  }
0x89: {  	s3 =	sld [smem:$0x3FFE];
	_ =	sdelay $0x1  }
0x8a: {  	s1 =	srdreg.scid  }
0x8b: {  	s0 =	sand.u32 $0x1, s1  }
0x8c: {  	s17 =	sshll.u32 s0, $0xA;
	s2 =	sadd.s32 s3, s2  }
0x8d: {  	s2 =	sadd.s32 s2, s17  }
0x8e: {  	[smem:$0x3FB2] =	sst s2  }
0x8f: {  	_ = 	snop  }
0x90: {  	s2 =	sld [smem:$0x3FD0];
	(tm) =	ssettm $0x1  }
0x91: {  	s18 =	sld [smem:$0x3FFB];
	_ =	sdelay $0x3  }
0x92: {  	_ =	strace s18  }
0x93: {  	s3 =	sld [smem:$0x3FFC];
	_ =	sdelay $0x3  }
0x94: {  	_ =	strace s3  }
0x95: {  	s3 =	sld [smem:$0x3FFD];
	_ =	sdelay $0x3  }
0x96: {  	_ =	strace s3  }
0x97: {  	_ =	strace $0x8FFFFFFF  }
0x98: {  	s19 =	sld [smem:$0x3FDB];
	_ =	sdelay $0x1  }
0x99: {  	s4 =	simm.s32 $_scs_section_size  }
0x9a: {  	s5 =	simm.s32 $_size__tile_overlayer_lowered;
	s6 =	simm.s32 $_tile_overlayer_lowered  }
0x9b: {  	s22 =	simm.s32 $0x1BFF;
	s21 =	sshll.u32 s6, $0x1;
	s3 =	sadd.s32 s4, s19  }
0x9c: {  	s7 =	simm.s32 $0x0;
	s20 =	sshll.u32 s5, $0x1;
	s5 =	sadd.s32 s21, s3  }
0x9d: {  	[timem:s7], [sflag:s22] =	dma.local [hbm:s5], s20  }
0x9e: {  	_ =	swait.ge [sflag:s22], s20  }
0x9f: {  	s4 =	ssub.s32 $0x0, s20;
	[sflag:s22] =	ssyncset.done $0x0  }
0xa0: {  	[sflag:s22] =	ssyncadd.s32 s4;
	_ =	sdelay $0x1  }
0xa1: {  	s23 =	simm.s32 $0x1B8B  }
0xa2: {  	_ =	swait.ge [sflag:s23], $0x1  }
0xa3: {  	[sflag:s23] =	ssyncset.done $0x0  }
0xa4: {  	s25 =	simm.s32 $0x1B8E;
	s24 =	sld [smem:$0x3FFE];
	[sflag:s23] =	ssyncadd.s32 $0xFFFFFFFF  }
0xa5: {  	s26 =	simm.s32 $execute0_lowered;
	[smem:$0x3FD2] =	sst s25  }
0xa6: {  	s5 =	sshll.u32 s26, $0x1;
	_ =	strace $0x80000046;
	[dreg:$0x1] =	wrdreg $0xFFFFFFFF  }
0xa7: {  	s28 =	simm.s32 $_size_execute0_lowered;
	s3 =	sadd.s32 s3, s5;
	[dreg:$0x0] =	wrdreg $0x0  }
0xa8: {  	s5 =	sshll.u32 s28, $0x1;
	[dreg:$0x2] =	wrdreg s3  }
0xa9: {  	[dreg:$0x3] =	wrdreg s5  }
0xaa: {  	[dreg:$0x4] =	wrdreg $0xC0  }
0xab: {  	_ =	task [dreg:s7], $0x5FFFF  }
0xac: {  	[dreg:$0x1] =	wrdreg $0xFFFFFFFF  }
0xad: {  	[dreg:$0x0] =	wrdreg $0x60  }
0xae: {  	[dreg:$0x2] =	wrdreg s24  }
0xaf: {  	[dreg:$0x3] =	wrdreg s2  }
0xb0: {  	[dreg:$0x4] =	wrdreg $0x7A000  }
0xb1: {  	[dreg:$0x5] =	wrdreg $0x9  }
0xb2: {  	_ =	task.clear_ibuf [dreg:s7], $0x6FFFF;
	_ =	strace $0x90000046  }
0xb3: {  	s29 =	simm.s32 $0x9;
	_ =	strace $0x80000048  }
0xb4: {  	_ =	swait.ge [sflag:s29], $0x1  }
0xb5: {  	[sflag:s29] =	ssyncadd.s32 $0xFFFFFFFF  }
0xb6: {  	_ =	strace $0x90000048  }
0xb7: {  	_ =	sfence  }
0xb8: {  	s30 =	sld [smem:$0x0];
	_ =	sdelay $0x2  }
0xb9: {  	s31 =	sshll.u32 s1, $0xD;
	s1 =	sshrl.u32 s1, $0x2  }
0xba: {  	s3 =	sand.u32 $0x4000, s31;
	s1 =	sadd.s32 s1, s30  }
0xbb: {  	s0 =	sor.u32 s3, s0;
	s1 =	sshll.u32 s1, $0x11  }
0xbc: {  	s0 =	sor.u32 s1, s0  }
0xbd: {  	s0 =	sadd.s32 $0x8F2B, s0  }
0xbe: {  	[sflag:s0] =	ssyncadd.remote.s32 $0x1  }
0xbf: {  	_ =	sfence.sel $0xFFFF  }
0xc0: {  	[dreg:$0x0] =	wrdreg $0xFFFFFFFF;
	(pc) =	sbr.abs _section_cstart, $3  }
0xc1: {  	[dreg:$0x1] =	wrdreg $0xFFFFFFFF  }
0xc2: {  	_ =	task.clear_ibuf [dreg:s7], $0x2FFFF;
	_ =	strace $0x9FFFFFFF  }
0xc3: {  	(tm) =	ssettm $0x7FFFFFFF  }
tec
execute0_lowered:
.L_overlay_start_1:
0x0: {  	(tag) =	ssettag $0x1  }
0x1: {  	s0 =	srdreg.scid  }
0x2: {  	s15 =	sand.u32 $0x1, s0;
	s0 =	stileid.u32  }
0x3: {  	s4 =	sor.u32 s0, s15  }
0x4: {  	p0 =	sne.s32 s4, $0x0  }
.Ltmp0:
0x5: {  	_ = 	snop;
	(pc) =	sbr.rel @p0 .LBB2_4-.Ltmp0, $4  }
0x6: {  	s14 =	rddreg [dreg:$0x0]  }
0x7: {  	s2 =	rddreg [dreg:$0x1]  }
0x8: {  	s3 =	rddreg [dreg:$0x2]  }
0x9: {  	s1 =	rddreg [dreg:$0x3];
	_ =	strace $0x80000047  }
0xa: {  	s4 =	sadd.s32 $0x3600, s14;
	s6 =	simm.s32 $0x0;
	s5 =	simm.s32 $0x1  }
0xb: {  	[tilespmem:s6], [sflag:$0x1] =	stream.linear.gather [hbm4b:s4+s6], $0x100, $0x38;
	[tilespmem:$0x7C80] =	vst v63  }
0xc: {  	_ =	swait.ge [sflag:s5], $0x100  }
0xd: {  	[sflag:s5] =	ssyncset.done $0x0  }
0xe: {  	s7 =	simm.s32 $0x100;
	[sflag:s5] =	ssyncadd.s32 $0xFFFFFF00  }
0xf: {  	[tilespmem:s7], [sflag:$0x1] =	stream.linear.gather [hbm4b:s2+s6], $0x100, $0x38;
	[tilespmem:$0x7C80] =	vst v63  }
0x10: {  	_ =	swait.ge [sflag:s5], $0x100  }
0x11: {  	s8 =	sadd.s32 $0x3800, s14;
	s9 =	sshll.u32 s0, $0x6;
	[sflag:s5] =	ssyncset.done $0x0  }
0x12: {  	s10 =	sshrl.u32 s3, $0x3;
	s9 =	sor.u32 $0x1C01, s9;
	[sflag:s5] =	ssyncadd.s32 $0xFFFFFF00  }
0x13: {  	[spmem:s10], [sflag:s9] =	dma.local [hbm:s8], $0x500  }
0x14: {  	_ =	swait.ge [sflag:s5], $0x500  }
0x15: {  	s11 =	sadd.s32 $0x3000, s14;
	[sflag:s5] =	ssyncset.done $0x0  }
0x16: {  	s12 =	simm.s32 $0xF0;
	s13 =	simm.s32 $0x200;
	[sflag:s5] =	ssyncadd.s32 $0xFFFFFB00  }
0x17: {  	[tilespmem:s13], [sflag:$0x1] =	stream.indirect.gather [hbm4b:s11+s12], $0x80, s6, s12, $0xb8;
	[tilespmem:$0x7C80] =	vst v63  }
0x18: {  	s15 =	ssub.s32 $0x2, s15;
	_ =	swait.ge [sflag:s5], $0x7800  }
0x19: {  	s16 =	sshrl.u32 s15, $0x1;
	[sflag:s5] =	ssyncset.done $0x0  }
0x1a: {  	s15 =	ssub.s32 s15, s16;
	[sflag:s5] =	ssyncadd.s32 $0xFFFF8800  }
0x1b: {  	[spmem:s3] =	stream.indirect.scatter.add.f32 [tilespmem:s13], [sflag:$0x1], $0x80, s7, s12, $0xb8;
	[tilespmem:$0x7C80] =	vst v63  }
0x1c: {  	p0 =	sne.s32 s15, $0x1;
	_ =	swait.ge [sflag:s5], $0x7800  }
.Ltmp1:
0x1d: {  	[sflag:s5] =	ssyncset.done $0x0;
	(pc) =	sbr.rel @!p0 .LBB2_3-.Ltmp1, $4  }
0x1e: {  	s14 =	sadd.s32 $0x3E00, s14;
	[sflag:s5] =	ssyncadd.s32 $0xFFFF8800  }
0x1f: {  	[hbm:s14], [sflag:s9] =	dma.local [spmem:s10], $0x500  }
0x20: {  	_ =	swait.ge [sflag:s5], $0x500  }
0x21: {  	s15 =	sadd.s32 $0xFFFFFFFF, s15;
	[sflag:s5] =	ssyncset.done $0x0  }
.LBB2_2:
0x22: {  	p0 =	sne.s32 s15, $0x1;
	s15 =	sadd.s32 $0xFFFFFFFF, s15;
	[sflag:s5] =	ssyncadd.s32 $0xFFFFFB00  }
0x23: {  	[tilespmem:s6], [sflag:$0x1] =	stream.linear.gather [hbm4b:s4+s6], $0x100, $0x38;
	[tilespmem:$0x7C80] =	vst v63  }
0x24: {  	_ =	swait.ge [sflag:s5], $0x100  }
0x25: {  	[sflag:s5] =	ssyncset.done $0x0  }
0x26: {  	[sflag:s5] =	ssyncadd.s32 $0xFFFFFF00  }
0x27: {  	[tilespmem:s7], [sflag:$0x1] =	stream.linear.gather [hbm4b:s2+s6], $0x100, $0x38;
	[tilespmem:$0x7C80] =	vst v63  }
0x28: {  	_ =	swait.ge [sflag:s5], $0x100  }
0x29: {  	[sflag:s5] =	ssyncset.done $0x0  }
0x2a: {  	[sflag:s5] =	ssyncadd.s32 $0xFFFFFF00  }
0x2b: {  	[spmem:s10], [sflag:s9] =	dma.local [hbm:s8], $0x500  }
0x2c: {  	_ =	swait.ge [sflag:s5], $0x500  }
0x2d: {  	[sflag:s5] =	ssyncset.done $0x0  }
0x2e: {  	[sflag:s5] =	ssyncadd.s32 $0xFFFFFB00  }
0x2f: {  	[tilespmem:s13], [sflag:$0x1] =	stream.indirect.gather [hbm4b:s11+s12], $0x80, s6, s12, $0xb8;
	[tilespmem:$0x7C80] =	vst v63  }
0x30: {  	_ =	swait.ge [sflag:s5], $0x7800  }
0x31: {  	[sflag:s5] =	ssyncset.done $0x0  }
0x32: {  	[sflag:s5] =	ssyncadd.s32 $0xFFFF8800  }
0x33: {  	[spmem:s3] =	stream.indirect.scatter.add.f32 [tilespmem:s13], [sflag:$0x1], $0x80, s7, s12, $0xb8;
	[tilespmem:$0x7C80] =	vst v63  }
0x34: {  	_ =	swait.ge [sflag:s5], $0x7800  }
.Ltmp2:
0x35: {  	[sflag:s5] =	ssyncset.done $0x0;
	(pc) =	sbr.rel @p0 .LBB2_2-.Ltmp2, $4  }
0x36: {  	[sflag:s5] =	ssyncadd.s32 $0xFFFF8800  }
0x37: {  	[hbm:s14], [sflag:s9] =	dma.local [spmem:s10], $0x500  }
0x38: {  	_ =	swait.ge [sflag:s5], $0x500  }
0x39: {  	[sflag:s5] =	ssyncset.done $0x0  }
.LBB2_3:
0x3a: {  	[sflag:s5] =	ssyncadd.s32 $0xFFFFFB00  }
.LBB2_4:
0x3b: {  	_ =	sfence.sel $0x180000  }
0x3c: {  	[bflag:$0x0] =	sbarrier.arrive $0xFFFF  }
0x3d: {  	p0 =	sne.s32 s0, $0x0;
	_ =	strace $0x90000047  }
0x3e: {  	s0 =	sadd.s32 @!p0 $0x100000, s1;
	[bflag:$0x2] =	sbarrier.arrive $0xFFFF  }
0x3f: {  	[sflag:s0] =	ssyncadd.tile.s32 @!p0 $0x1;
	_ =	shalt  }
.Lfunc_end2:
_tile_overlayer_lowered:
.L_overlay_start_2:
0x40: {  	(tag) =	ssettag $0x2  }
0x41: {  	s0 =	rddreg [dreg:$0x0];
	s2 =	stileid.u32  }
0x42: {  	s1 =	rddreg [dreg:$0x1];
	p0 =	sne.s32 s2, $0x0  }
0x43: {  	s3 =	rddreg [dreg:$0x2];
	[bflag:$0x3] =	sbarrier.arrive $0xFFFF;
	s2 =	simm.s32 @!p0 $0x1C01  }
0x44: {  	[timem:s3], [sflag:s2] =	dma.local @!p0 [hbm:s0], s1  }
0x45: {  	s0 =	simm.s32 @!p0 $0x1  }
0x46: {  	_ =	swait.ge @!p0 [sflag:s0], s1  }
0x47: {  	s1 =	ssub.s32 @!p0 $0x0, s1;
	[sflag:s0] =	ssyncset.done @!p0 $0x0  }
0x48: {  	[sflag:s0] =	ssyncadd.s32 @!p0 s1  }
0x49: {  	[bflag:$0x3] =	sbarrier.arrive $0xFFFF  }
0x4a: {  	_ =	shalt  }

</sc_bundles>
